<compile_context>
chip_gen: v7x
topology: tpu7x:2x2x1
jax: 0.10.2.dev20260603
libtpu: 0.0.44.dev20260713+nightly
codegen_flags: <defaults>
</compile_context>

<pallas_src>
import numpy as np
import jax
import jax.numpy as jnp
from jax.experimental import pallas as pl

_RATIO = 0.6
_RATE = 0.5


def _band_vectors(B, H, W):
    rng = np.random.default_rng(0)
    mask_size = int(max(H, W) * 2)
    lo = int(min(H * 0.5, W * 0.3))
    hi = int(max(H * 0.5, W * 0.3)) + 1
    top = (mask_size - H) // 2
    left = (mask_size - W) // 2
    rows = np.zeros((B, H), np.float32)
    cols = np.zeros((B, W), np.float32)
    for b in range(B):
        gridblock = int(rng.integers(lo, hi))
        if _RATIO == 1:
            length = int(rng.integers(1, gridblock + 1))
        else:
            length = int(min(max(int(gridblock * _RATIO + 0.5), 1), gridblock - 1))
        ind = []
        for _ in range(2):
            start_w = int(rng.integers(0, gridblock + 1))
            v = np.zeros(mask_size, np.float32)
            for i in range(mask_size // gridblock):
                s = gridblock * i + start_w
                e = min(s + length, mask_size)
                if e > s:
                    v[s:e] = 1.0
            ind.append(v)
        rate_cond = rng.random() < _RATE
        if rate_cond:
            rows[b] = ind[0][top:top + H]
            cols[b] = ind[1][left:left + W]
        else:
            rows[b] = 1.0
            cols[b] = 1.0
    return rows, cols


def _body(img_ref, row_ref, col_ref, out_ref):
    r = row_ref[0, 0, :]
    c = col_ref[0, 0, :]
    m = jnp.maximum(r[:, None], c[None, :])
    out_ref[0] = img_ref[0] * m


def kernel(images):
    B, H, W, C = images.shape
    rows_np, cols_np = _band_vectors(B, H, W)
    rows = jnp.asarray(rows_np.reshape(B, 1, H))
    cols = jnp.asarray(np.repeat(cols_np, C, axis=1).reshape(B, 1, W * C))
    img2 = images.reshape(B, H, W * C)
    out = pl.pallas_call(
        _body,
        grid=(B,),
        in_specs=[
            pl.BlockSpec((1, H, W * C), lambda b: (b, 0, 0)),
            pl.BlockSpec((1, 1, H), lambda b: (b, 0, 0)),
            pl.BlockSpec((1, 1, W * C), lambda b: (b, 0, 0)),
        ],
        out_specs=pl.BlockSpec((1, H, W * C), lambda b: (b, 0, 0)),
        out_shape=jax.ShapeDtypeStruct((B, H, W * C), images.dtype),
    )(img2, rows, cols)
    return out.reshape(B, H, W, C)

# --- scband reference (transcript-rebuilt; emitter-appended) ---
"""Pipeline reference for scband-grid-mask-18245021073859 (READ-ONLY COPY).

The authoritative reference and input builder live on the scoring server;
editing this copy changes nothing except your own understanding.
"""

import jax, jax.numpy as jnp
import numpy as np

RATIO = 0.6
RATE = 0.5
FILL_VALUE = 1


def _make_grid_mask(H, W, ratio, rng):
    # mirrors GridMask.mask + GridMask.crop
    mask_size = int(max(H, W) * 2)
    lo = int(min(H * 0.5, W * 0.3))
    hi = int(max(H * 0.5, W * 0.3)) + 1
    gridblock = int(rng.integers(lo, hi))
    if ratio == 1:
        length = int(rng.integers(1, gridblock + 1))
    else:
        length = int(min(max(int(gridblock * ratio + 0.5), 1), gridblock - 1))
    mask = np.zeros((mask_size, mask_size), dtype=np.int32)
    for _ in range(2):
        start_w = int(rng.integers(0, gridblock + 1))
        for i in range(mask_size // gridblock):
            start = gridblock * i + start_w
            end = min(start + length, mask_size)
            if end > start:
                mask[start:end, :] = FILL_VALUE
        mask = mask.T.copy()
    # crop center (matches GridMask.crop)
    top = (mask_size - H) // 2
    left = (mask_size - W) // 2
    return mask[top:top + H, left:left + W]


def _batch_masks(B, H, W, ratio, rate, seed=0):
    # per-image random mask + per-image rate gate (training=True), like tf.map_fn over images
    rng = np.random.default_rng(seed)
    masks = []
    for _ in range(B):
        m = _make_grid_mask(H, W, ratio, rng)
        rate_cond = rng.random() < rate
        if not rate_cond:
            m = np.ones((H, W), dtype=np.int32)
        masks.append(m)
    return np.stack(masks)[..., None].astype(np.float32)


def setup_inputs(seed: int = 0) -> dict:
    key = jax.random.key(seed)
    images = jax.random.uniform(key, (32, 512, 512, 3), dtype=jnp.float32) * 255.0
    return {"images": images}


def reference(images):
    B, H, W, _ = images.shape
    masks = jnp.asarray(_batch_masks(B, H, W, RATIO, RATE, seed=0))
    # augment_cond true branch: image * mask; false branch handled by all-ones mask
    return images * masks

if __name__ == "__main__":
    import jax
    _d = setup_inputs()
    print(jax.jit(kernel)(*tuple(_d.values())))

</pallas_src>

<mosaic_0001>
module attributes {stable_mosaic.version = 14 : i64} {
  func.func @_body(%arg0: i32, %arg1: memref<1x512x1536xf32, #tpu.memory_space<vmem>>, %arg2: memref<1x1x512xf32, #tpu.memory_space<vmem>>, %arg3: memref<1x1x1536xf32, #tpu.memory_space<vmem>>, %arg4: memref<1x512x1536xf32, #tpu.memory_space<vmem>>) attributes {dimension_semantics = [#tpu.dimension_semantics<arbitrary>], iteration_bounds = array<i64: 32>, scalar_prefetch = 0 : i64, scratch_operands = 0 : i64, tpu.core_type = #tpu.core_type<tc>, window_params = [{transform_indices = @transform_0, window_bounds = array<i64: 1, 512, 1536>}, {transform_indices = @transform_1, window_bounds = array<i64: 1, 1, 512>}, {transform_indices = @transform_2, window_bounds = array<i64: 1, 1, 1536>}, {transform_indices = @transform_3, window_bounds = array<i64: 1, 512, 1536>}]} {
    %get3A = arith.constant 0 : index
    %get3A_0 = arith.constant 0 : index
    %get3A_1 = arith.constant 0 : index
    %get3A_2 = vector.load %arg2[%get3A, %get3A_0, %get3A_1] : memref<1x1x512xf32, #tpu.memory_space<vmem>>, vector<1x1x512xf32>
    %get3A_3 = vector.shape_cast %get3A_2 : vector<1x1x512xf32> to vector<512xf32>
    %get3A_4 = arith.constant 0 : index
    %get3A_5 = arith.constant 0 : index
    %get3A_6 = arith.constant 0 : index
    %get3A_7 = vector.load %arg3[%get3A_4, %get3A_5, %get3A_6] : memref<1x1x1536xf32, #tpu.memory_space<vmem>>, vector<1x1x1536xf32>
    %get3A_8 = vector.shape_cast %get3A_7 : vector<1x1x1536xf32> to vector<1536xf32>
    %broadcast_in_dim3A = vector.shape_cast %get3A_3 : vector<512xf32> to vector<512x1xf32>
    %broadcast_in_dim3A_9 = vector.shape_cast %get3A_8 : vector<1536xf32> to vector<1x1536xf32>
    %max3A = vector.broadcast %broadcast_in_dim3A : vector<512x1xf32> to vector<512x1536xf32>
    %max3A_10 = vector.broadcast %broadcast_in_dim3A_9 : vector<1x1536xf32> to vector<512x1536xf32>
    %max3A_11 = arith.maximumf %max3A, %max3A_10 : vector<512x1536xf32>
    %get3A_12 = arith.constant 0 : index
    %get3A_13 = arith.constant 0 : index
    %get3A_14 = arith.constant 0 : index
    %get3A_15 = vector.load %arg1[%get3A_12, %get3A_13, %get3A_14] : memref<1x512x1536xf32, #tpu.memory_space<vmem>>, vector<1x512x1536xf32>
    %get3A_16 = vector.shape_cast %get3A_15 : vector<1x512x1536xf32> to vector<512x1536xf32>
    %mul3A = arith.mulf %get3A_16, %max3A_11 : vector<512x1536xf32>
    %swap3A = arith.constant 0 : index
    %swap3A_17 = arith.constant 0 : index
    %swap3A_18 = arith.constant 0 : index
    %swap3A_19 = vector.load %arg4[%swap3A, %swap3A_17, %swap3A_18] : memref<1x512x1536xf32, #tpu.memory_space<vmem>>, vector<1x512x1536xf32>
    %swap3A_20 = vector.shape_cast %swap3A_19 : vector<1x512x1536xf32> to vector<512x1536xf32>
    %swap3A_21 = vector.shape_cast %mul3A : vector<512x1536xf32> to vector<1x512x1536xf32>
    tpu.vector_store %arg4[%swap3A, %swap3A_17, %swap3A_18], %swap3A_21 {strides = array<i32>} : memref<1x512x1536xf32, #tpu.memory_space<vmem>>, vector<1x512x1536xf32>,
    return
  }
  func.func @transform_0(%arg0: i32) -> (i32, i32, i32) {
    %c0_i32 = arith.constant 0 : i32
    %c0_i32_0 = arith.constant 0 : i32
    %c0_i32_1 = arith.constant 0 : i32
    return %arg0, %c0_i32, %c0_i32_0 : i32, i32, i32
  }
  func.func @transform_1(%arg0: i32) -> (i32, i32, i32) {
    %c0_i32 = arith.constant 0 : i32
    %c0_i32_0 = arith.constant 0 : i32
    %c0_i32_1 = arith.constant 0 : i32
    return %arg0, %c0_i32, %c0_i32_0 : i32, i32, i32
  }
  func.func @transform_2(%arg0: i32) -> (i32, i32, i32) {
    %c0_i32 = arith.constant 0 : i32
    %c0_i32_0 = arith.constant 0 : i32
    %c0_i32_1 = arith.constant 0 : i32
    return %arg0, %c0_i32, %c0_i32_0 : i32, i32, i32
  }
  func.func @transform_3(%arg0: i32) -> (i32, i32, i32) {
    %c0_i32 = arith.constant 0 : i32
    %c0_i32_0 = arith.constant 0 : i32
    %c0_i32_1 = arith.constant 0 : i32
    return %arg0, %c0_i32, %c0_i32_0 : i32, i32, i32
  }
}

</mosaic_0001>

<sc_bundles>
// kernel: sparse-core-data-format-call.cloned.1.call-start
scs
called_computation_lowered:
.L_overlay_start_0:
0x0: {  	s2 =	sld [smem:$0x3FD9]  }
0x1: {  	s3 =	sld [smem:$0x3FFE];
	_ =	sdelay $0x1  }
0x2: {  	s1 =	srdreg.scid  }
0x3: {  	s0 =	sand.u32 $0x1, s1  }
0x4: {  	s18 =	sshll.u32 s0, $0xA;
	s2 =	sadd.s32 s3, s2  }
0x5: {  	s2 =	sadd.s32 s2, s18  }
0x6: {  	[smem:$0x3FC7] =	sst s2  }
0x7: {  	_ = 	snop  }
0x8: {  	s2 =	sld [smem:$0x3FD0];
	(tm) =	ssettm $0x1  }
0x9: {  	s19 =	sld [smem:$0x3FFB];
	_ =	sdelay $0x3  }
0xa: {  	_ =	strace s19  }
0xb: {  	s3 =	sld [smem:$0x3FFC];
	_ =	sdelay $0x3  }
0xc: {  	_ =	strace s3  }
0xd: {  	s3 =	sld [smem:$0x3FFD];
	_ =	sdelay $0x3  }
0xe: {  	_ =	strace s3  }
0xf: {  	_ =	strace $0x8FFFFFFF  }
0x10: {  	s20 =	sld [smem:$0x3FDB];
	_ =	sdelay $0x1  }
0x11: {  	s4 =	simm.s32 $_scs_section_size  }
0x12: {  	s5 =	simm.s32 $_size__tile_overlayer_lowered;
	s6 =	simm.s32 $_tile_overlayer_lowered  }
0x13: {  	s23 =	simm.s32 $0x1BFF;
	s22 =	sshll.u32 s6, $0x1;
	s3 =	sadd.s32 s4, s20  }
0x14: {  	s7 =	simm.s32 $0x0;
	s21 =	sshll.u32 s5, $0x1;
	s5 =	sadd.s32 s22, s3  }
0x15: {  	[timem:s7], [sflag:s23] =	dma.local [hbm:s5], s21  }
0x16: {  	_ =	swait.ge [sflag:s23], s21  }
0x17: {  	s4 =	ssub.s32 $0x0, s21;
	[sflag:s23] =	ssyncset.done $0x0  }
0x18: {  	[sflag:s23] =	ssyncadd.s32 s4;
	_ =	sdelay $0x1  }
0x19: {  	s24 =	simm.s32 $0x1B8B  }
0x1a: {  	_ =	swait.ge [sflag:s24], $0x1  }
0x1b: {  	[sflag:s24] =	ssyncset.done $0x0  }
0x1c: {  	s26 =	simm.s32 $0x1B8E;
	s25 =	sld [smem:$0x3FFE];
	[sflag:s24] =	ssyncadd.s32 $0xFFFFFFFF  }
0x1d: {  	s27 =	simm.s32 $execute0_lowered;
	[smem:$0x3FD2] =	sst s26  }
0x1e: {  	s5 =	sshll.u32 s27, $0x1;
	_ =	strace $0x80000046;
	[dreg:$0x1] =	wrdreg $0xFFFFFFFF  }
0x1f: {  	s28 =	simm.s32 $_size_execute0_lowered;
	s3 =	sadd.s32 s3, s5;
	[dreg:$0x0] =	wrdreg $0x0  }
0x20: {  	s5 =	sshll.u32 s28, $0x1;
	[dreg:$0x2] =	wrdreg s3  }
0x21: {  	[dreg:$0x3] =	wrdreg s5  }
0x22: {  	[dreg:$0x4] =	wrdreg $0xC0  }
0x23: {  	_ =	task [dreg:s7], $0x5FFFF  }
0x24: {  	[dreg:$0x1] =	wrdreg $0xFFFFFFFF  }
0x25: {  	[dreg:$0x0] =	wrdreg $0x60  }
0x26: {  	[dreg:$0x2] =	wrdreg s25  }
0x27: {  	[dreg:$0x3] =	wrdreg s2  }
0x28: {  	[dreg:$0x4] =	wrdreg $0x9  }
0x29: {  	_ =	task.clear_ibuf [dreg:s7], $0x5FFFF;
	_ =	strace $0x90000046  }
0x2a: {  	s29 =	simm.s32 $0x9;
	_ =	strace $0x80000048  }
0x2b: {  	_ =	swait.ge [sflag:s29], $0x1  }
0x2c: {  	[sflag:s29] =	ssyncadd.s32 $0xFFFFFFFF  }
0x2d: {  	_ =	strace $0x90000048  }
0x2e: {  	_ =	sfence  }
0x2f: {  	s30 =	sld [smem:$0x0];
	_ =	sdelay $0x2  }
0x30: {  	s31 =	sshll.u32 s1, $0xD;
	s1 =	sshrl.u32 s1, $0x2  }
0x31: {  	s3 =	sand.u32 $0x4000, s31;
	s1 =	sadd.s32 s1, s30  }
0x32: {  	s0 =	sor.u32 s3, s0;
	s1 =	sshll.u32 s1, $0x11  }
0x33: {  	s0 =	sor.u32 s1, s0  }
0x34: {  	s0 =	sadd.s32 $0x8F2B, s0  }
0x35: {  	[sflag:s0] =	ssyncadd.remote.s32 $0x1  }
0x36: {  	_ =	sfence.sel $0xFFFF  }
0x37: {  	[dreg:$0x0] =	wrdreg $0xFFFFFFFF;
	(pc) =	sbr.abs _section_cstart, $3  }
0x38: {  	[dreg:$0x1] =	wrdreg $0xFFFFFFFF  }
0x39: {  	_ =	task.clear_ibuf [dreg:s7], $0x2FFFF;
	_ =	strace $0x9FFFFFFF  }
0x3a: {  	(tm) =	ssettm $0x7FFFFFFF  }
0x3b: {  	_ =	shalt  }
tec
execute0_lowered:
.L_overlay_start_1:
0x0: {  	(tag) =	ssettag $0x1  }
0x1: {  	s0 =	stileid.u32;
	s4 =	rddreg [dreg:$0x0]  }
0x2: {  	s3 =	rddreg [dreg:$0x1];
	s7 =	srdreg.scid;
	s8 =	simm.s32 $0x2  }
0x3: {  	s18 =	simm.s32 $0x0;
	s9 =	simm.s32 $0x1000;
	s16 =	simm.s32 $0x0  }
0x4: {  	s17 =	simm.s32 $0x0;
	s15 =	simm.s32 $0x0;
	s1 =	sshll.u32 s0, $0x7  }
0x5: {  	s10 =	simm.s32 $0x0;
	s12 =	simm.s32 $0x0;
	s2 =	sand.u32 $0x180, s1  }
0x6: {  	s14 =	simm.s32 $0x0;
	s4 =	sadd.s32 $0x800, s4;
	s5 =	ssub.s32 $0x200, s2  }
0x7: {  	s7 =	sshll.u32 s7, $0x4;
	s1 =	rddreg [dreg:$0x2];
	s6 =	sand.u32 $0x180, s5  }
0x8: {  	s7 =	sand.u32 $0x10, s7;
	p0 =	sne.s32 s6, $0x0;
	s6 =	simm.s32 $0x1  }
.Ltmp0:
0x9: {  	s5 =	sshrl.u32 s5, $0x9;
	s6 =	simm.s32 @!p0 $0x0;
	(pc) =	sbr.rel .LBB1_1-.Ltmp0, $4  }
0xa: {  	_ =	strace $0x80000047;
	s7 =	sor.u32 s0, s7;
	s6 =	sadd.s32 s6, s5  }
0xb: {  	s7 =	sshrl.u32 s7, $0x2;
	s5 =	simm.s32 $0x1;
	s6 =	smul.u32 $0x30, s6  }
0xc: {  	s13 =	smov.u32 s2;
	s11 =	smov.u32 s7;
	[sflag:s5] =	ssyncpa.u1 $0x0  }
0xd: {  	p0 =	por $0x0, $0x0;
	[sflag:s8] =	ssyncpa.u1 $0x0;
	s8 =	sor.u32 $0x1, s6  }
.LBB1_4:
0xe: {  	v5 =	vld [tilespmem:s20+$0xFFFFFFD0];
	[tilespmem:s22+$0x2040 ss:$0x81] =	vst.msk $0xffff, v2  }
0xf: {  	v58 =	vld [tilespmem:s20+$0xFFFFFFE0];
	[tilespmem:s22+$0x2850 ss:$0x81] =	vst.msk $0xffff, v3  }
0x10: {  	s23 =	sshra.s32 s23, $0x2;
	v59 =	vld [tilespmem:s20+$0xFFFFFFF0];
	[tilespmem:s22+$0x3060 ss:$0x81] =	vst.msk $0xffff, v4  }
0x11: {  	v60 =	vld [tilespmem:s20+$0x0];
	[tilespmem:s22+$0x0 ss:$0x81] =	vst.msk $0xffff, v0;
	s21 =	sadd.s32 s23, s21  }
0x12: {  	s24 =	sshll.u32 s18, $0x9;
	s25 =	sshll.u32 s15, $0x3;
	v61 =	vld [tilespmem:s20+$0x10];
	s26 =	sshll.u32 s18, $0x7;
	[tilespmem:s21+$0x3870 ss:$0x81] =	vst.msk $0xffff, v1  }
0x13: {  	v62 =	vld [tilespmem:s20+$0x20];
	s28 =	sand.u32 $0x78, s15;
	s16 =	smul.u32 $0x18000, s16;
	s17 =	sshll.u32 s17, $0xF;
	[tilespmem:s21+$0x810 ss:$0x81] =	vst.msk $0xffff, v5  }
0x14: {  	v63 =	vld [tilespmem:s20+$0xFFFFFFC0];
	s30 =	sand.u32 $0x7, s15;
	s22 =	sand.u32 $0x3F000, s24;
	s23 =	sand.u32 $0x3FC00, s25;
	[tilespmem:s21+$0x1020 ss:$0x81] =	vst.msk $0xffff, v58  }
0x15: {  	s27 =	sand.u32 $0x200, s26;
	s18 =	sand.u32 $0x180, s26;
	s22 =	sadd.s32 s23, s22;
	[tilespmem:s21+$0x1830 ss:$0x81] =	vst.msk $0xffff, v59  }
0x16: {  	s17 =	sadd.s32 s3, s17;
	s18 =	sor.u32 s28, s18;
	s22 =	sor.u32 s27, s22;
	[tilespmem:s21+$0x2040 ss:$0x81] =	vst.msk $0xffff, v60  }
0x17: {  	s16 =	sadd.s32 s16, s17;
	s18 =	sshrl.u32 s18, $0x3;
	s29 =	sshrl.u32 s22, $0x3;
	[tilespmem:s21+$0x2850 ss:$0x81] =	vst.msk $0xffff, v61  }
0x18: {  	s15 =	sshll.u32 s30, $0x12;
	s16 =	sadd.s32 s18, s16;
	[tilespmem:s21+$0x3060 ss:$0x81] =	vst.msk $0xffff, v62;
	s31 =	sand.u32 $0x7FC0, s29  }
0x19: {  	s15 =	sor.u32 $0x400, s15;
	[tilespmem:s21+$0x0 ss:$0x81] =	vst.msk $0xffff, v63;
	s16 =	sadd.s32 s31, s16  }
0x1a: {  	[hbm4b:s16+s15] =	stream.strided.scatter [tilespmem:s19], [sflag:$0x2], $0x4000, s9, s15, $0x20;
	[tilespmem:$0x10100] =	vst v63  }
.LBB1_5:
0x1b: {  	s19 =	sadd.s32 $0x80, s10  }
0x1c: {  	s15 =	sadd.s32 $0x8, s11;
	s20 =	smov.u32 s11;
	p2 =	sgt.s32 s19, $0x1FF  }
0x1d: {  	s20 =	smov.u32 @p2 s15  }
0x1e: {  	s15 =	simm.s32 $0x1;
	p3 =	sgt.s32 s20, $0x1F  }
0x1f: {  	s15 =	simm.s32 @!p3 $0x0  }
0x20: {  	s21 =	sadd.s32 s15, s12  }
0x21: {  	s22 =	smov.u32 s13;
	s15 =	sadd.s32 $0x200, s13;
	p4 =	sgt.s32 s21, $0x2  }
0x22: {  	p1 =	slt.u32 s14, $0x2;
	s22 =	smov.u32 @p4 s15  }
0x23: {  	s18 =	smov.u32 s10;
	s19 =	simm.s32 @p2 $0x0;
	p2 =	sgt.s32 s22, $0x1FF  }
0x24: {  	s23 =	simm.s32 @!p1 $0x2;
	s22 =	smov.u32 @p2 s2;
	p2 =	sne.s32 s14, s8  }
.Ltmp1:
0x25: {  	s16 =	smov.u32 s11;
	_ =	swait.ge @!p1 [sflag:s23], $0x4000;
	(pc) =	sbr.rel @!p2 .LBB1_6-.Ltmp1, $4  }
0x26: {  	s17 =	smov.u32 s12;
	p0 =	por !p0, !p0;
	[sflag:s23] =	ssyncset.done @!p1 $0x0  }
0x27: {  	s10 =	smov.u32 s19;
	s20 =	smov.u32 @p3 s7;
	[sflag:s23] =	ssyncadd.s32 @!p1 $0xFFFFC000  }
0x28: {  	s11 =	smov.u32 s20;
	s21 =	simm.s32 @p4 $0x0;
	s15 =	smov.u32 s13  }
0x29: {  	s12 =	smov.u32 s21;
	s14 =	sadd.s32 $0x1, s14;
	s13 =	smov.u32 s22  }
.LBB1_1:
0x2a: {  	p1 =	sge.u32 s14, s6;
	s31 =	sadd.s32 $0xFFFFFFFF, s14  }
0x2b: {  	s19 =	sxor.u32 @!p1 $0xFFFFFFFF, s14;
	s20 =	sshll.u32 @!p1 s11, $0x9;
	s21 =	sshll.u32 @!p1 s10, $0x3  }
0x2c: {  	s22 =	sand.u32 @!p1 $0x78, s10;
	s20 =	sand.u32 @!p1 $0x3000, s20;
	s21 =	sand.u32 @!p1 $0x3C00, s21  }
0x2d: {  	s24 =	smul.u32 @!p1 $0x1800, s13;
	s20 =	sadd.s32 @!p1 s20, s21;
	s21 =	sshll.u32 @!p1 s11, $0x7  }
0x2e: {  	s19 =	sshll.u32 @!p1 s19, $0xE;
	s23 =	sand.u32 @!p1 $0x200, s21;
	s21 =	sand.u32 @!p1 $0x180, s21  }
0x2f: {  	s19 =	sand.u32 @!p1 $0x4000, s19;
	s20 =	sor.u32 @!p1 s23, s20;
	s21 =	sor.u32 @!p1 s22, s21  }
0x30: {  	s22 =	sshll.u32 @!p1 s12, $0xB;
	s23 =	sadd.s32 @!p1 s4, s24;
	s20 =	sshrl.u32 @!p1 s20, $0x3  }
0x31: {  	s21 =	sshrl.u32 @!p1 s21, $0x3;
	s22 =	sadd.s32 @!p1 s22, s23;
	s23 =	sand.u32 @!p1 $0x7, s10  }
0x32: {  	s20 =	sand.u32 @!p1 $0x7C0, s20;
	s21 =	sadd.s32 @!p1 s21, s22;
	s22 =	sshll.u32 @!p1 s23, $0x12  }
0x33: {  	s20 =	sadd.s32 @!p1 s20, s21;
	s21 =	sor.u32 @!p1 $0x80, s22;
	s22 =	simm.s32 @!p1 $0xC000  }
0x34: {  	[tilespmem:s19], [sflag:$0x1] =	stream.strided.gather @!p1 [hbm4b:s20+s21], $0x4000, s22, s21, $0x38;
	[tilespmem:$0x10100] =	vst v63  }
0x35: {  	p1 =	sge.u32 s31, s6  }
.Ltmp2:
0x36: {  	_ = 	snop;
	(pc) =	sbr.rel @p1 .LBB1_5-.Ltmp2, $1  }
0x37: {  	_ =	sdelay $0x3  }
0x38: {  	s19 =	simm.s32 $0x1  }
0x39: {  	_ =	swait.ge [sflag:s5], $0x4000;
	s19 =	simm.s32 @!p0 $0x0  }
0x3a: {  	[sflag:s5] =	ssyncset.done $0x0;
	s20 =	sshll.u32 s19, $0xE  }
0x3b: {  	[sflag:s5] =	ssyncadd.s32 $0xFFFFC000;
	s20 =	sor.u32 $0x40, s20  }
0x3c: {  	s19 =	smul.u32 $0x10200, s19;
	v0 =	vld [tilespmem:s20+$0x30]  }
0x3d: {  	v1 =	vld [tilespmem:s20+$0xFFFFFFD0]  }
0x3e: {  	s19 =	sshrl.u32 s19, $0x2;
	v5 =	vld [tilespmem:s20+$0xFFFFFFE0]  }
0x3f: {  	v6 =	vld [tilespmem:s20+$0xFFFFFFF0];
	s21 =	sor.u32 $0x8000, s19  }
0x40: {  	s31 =	sand.u32 $0x1, s14;
	v2 =	vld [tilespmem:s20+$0x0];
	s22 =	sadd.s32 $0x0, s21  }
0x41: {  	v3 =	vld [tilespmem:s20+$0x10];
	s19 =	smul.u32 $0x10200, s31;
	[tilespmem:s22+$0x3870 ss:$0x81] =	vst.msk $0xffff, v0  }
0x42: {  	v4 =	vld [tilespmem:s20+$0x20];
	[tilespmem:s22+$0x810 ss:$0x81] =	vst.msk $0xffff, v1  }
0x43: {  	s19 =	sshrl.u32 s19, $0x2;
	v0 =	vld [tilespmem:s20+$0xFFFFFFC0];
	[tilespmem:s22+$0x1020 ss:$0x81] =	vst.msk $0xffff, v5;
	s20 =	sadd.s32 $0x80, s20  }
0x44: {  	s23 =	simm.s32 $0x4;
	s24 =	simm.s32 $0x8;
	s19 =	sor.u32 $0x8000, s19;
	[tilespmem:s22+$0x1830 ss:$0x81] =	vst.msk $0xffff, v6;
	v1 =	vld [tilespmem:s20+$0x30]  }
.LBB1_3:
0x45: {  	p1 =	sne.s32 s24, $0x1FC;
	v5 =	vld [tilespmem:s20+$0xFFFFFFD0];
	[tilespmem:s22+$0x2040 ss:$0x81] =	vst.msk $0xffff, v2  }
0x46: {  	v6 =	vld [tilespmem:s20+$0xFFFFFFE0];
	[tilespmem:s22+$0x2850 ss:$0x81] =	vst.msk $0xffff, v3  }
0x47: {  	s25 =	sshra.s32 s23, $0x2;
	s23 =	smov.u32 s24;
	v7 =	vld [tilespmem:s20+$0xFFFFFFF0];
	[tilespmem:s22+$0x3060 ss:$0x81] =	vst.msk $0xffff, v4  }
.Ltmp3:
0x48: {  	v2 =	vld [tilespmem:s20+$0x0];
	[tilespmem:s22+$0x0 ss:$0x81] =	vst.msk $0xffff, v0;
	s22 =	sadd.s32 s25, s21;
	(pc) =	sbr.rel @p1 .LBB1_3-.Ltmp3, $4  }
0x49: {  	v3 =	vld [tilespmem:s20+$0x10];
	[tilespmem:s22+$0x3870 ss:$0x81] =	vst.msk $0xffff, v1  }
0x4a: {  	[tilespmem:s22+$0x810 ss:$0x81] =	vst.msk $0xffff, v5;
	v4 =	vld [tilespmem:s20+$0x20]  }
0x4b: {  	v0 =	vld [tilespmem:s20+$0xFFFFFFC0];
	[tilespmem:s22+$0x1020 ss:$0x81] =	vst.msk $0xffff, v6;
	s20 =	sadd.s32 $0x80, s20  }
0x4c: {  	s24 =	sadd.s32 $0x4, s24;
	v1 =	vld [tilespmem:s20+$0x30];
	[tilespmem:s22+$0x1830 ss:$0x81] =	vst.msk $0xffff, v7  }
.Ltmp4:
0x4d: {  	_ = 	snop;
	(pc) =	sbr.rel .LBB1_4-.Ltmp4, $1  }
0x4e: {  	_ =	sdelay $0x3  }
.LBB1_6:
0x4f: {  	_ =	sfence.sel $0x180000  }
0x50: {  	s2 =	simm.s32 $0x1;
	[bflag:$0x0] =	sbarrier.arrive $0xFFFF  }
0x51: {  	s31 =	simm.s32 $0x2;
	[sflag:s2] =	ssyncpa.u1 $0x1  }
0x52: {  	[sflag:s31] =	ssyncpa.u1 $0x1  }
0x53: {  	p0 =	sne.s32 s0, $0x0;
	_ =	strace $0x90000047  }
0x54: {  	s0 =	sadd.s32 @!p0 $0x100000, s1;
	[bflag:$0x2] =	sbarrier.arrive $0xFFFF  }
0x55: {  	[sflag:s0] =	ssyncadd.tile.s32 @!p0 $0x1;
	_ =	shalt  }
.Lfunc_end1:
_tile_overlayer_lowered:
.L_overlay_start_2:
0x56: {  	(tag) =	ssettag $0x2  }
0x57: {  	s0 =	rddreg [dreg:$0x0];
	s2 =	stileid.u32  }
0x58: {  	s1 =	rddreg [dreg:$0x1];
	p0 =	sne.s32 s2, $0x0  }
0x59: {  	s3 =	rddreg [dreg:$0x2];
	[bflag:$0x3] =	sbarrier.arrive $0xFFFF;
	s2 =	simm.s32 @!p0 $0x1C01  }
0x5a: {  	[timem:s3], [sflag:s2] =	dma.local @!p0 [hbm:s0], s1  }
0x5b: {  	s0 =	simm.s32 @!p0 $0x1  }
0x5c: {  	_ =	swait.ge @!p0 [sflag:s0], s1  }
0x5d: {  	s1 =	ssub.s32 @!p0 $0x0, s1;
	[sflag:s0] =	ssyncset.done @!p0 $0x0  }
0x5e: {  	[sflag:s0] =	ssyncadd.s32 @!p0 s1  }
0x5f: {  	[bflag:$0x3] =	sbarrier.arrive $0xFFFF  }
0x60: {  	_ =	shalt  }

</sc_bundles>
